<compile_context>
chip_gen: v7x
topology: tpu7x:2x2x1
jax: 0.10.2.dev20260603
libtpu: 0.0.44.dev20260713+nightly
codegen_flags: <defaults>
</compile_context>

<pallas_src>
import jax
import jax.numpy as jnp
from jax.experimental import pallas as pl
from jax.experimental.pallas import tpu as pltpu

_N = 1000000
_K = 16384
_TAU_MEANS = 4.0
_EPS_ALPHA = 0.005
_PHI = 1.6
_INTERVAL_DENSIFY = 100.0
_MAX_WH = 1600.0
_SCALE_THRESH = 0.01

_BLK = 131072


def _score_kernel(mga_ref, op_ref, st_ref, c_ref, s_ref):
    g = mga_ref[...] / _INTERVAL_DENSIFY / 2.0 * _MAX_WH
    grad_mask = g >= _TAU_MEANS
    prune_mask = jax.nn.sigmoid(op_ref[...]) > _EPS_ALPHA
    scale_max = jnp.max(jnp.exp(st_ref[...]), axis=0)
    base = prune_mask & grad_mask
    clone = (scale_max < _SCALE_THRESH) & base
    split = (scale_max > _SCALE_THRESH) & base
    neg = jnp.float32(-jnp.inf)
    c_ref[...] = jnp.where(clone, g, neg)
    s_ref[...] = jnp.where(split, g, neg)


def _gather_kernel(idx_ref, feats_ref, valid_ref, out_ref):
    i = pl.program_id(0)
    row = feats_ref[...]
    col = jax.lax.broadcasted_iota(jnp.int32, row.shape, 2)
    split_row = jnp.log(jnp.exp(row) / _PHI)
    sel = (col >= 6) & (col < 9) & (i >= _K)
    row = jnp.where(sel, split_row, row)
    v = valid_ref[0, 0, 0] > 0.0
    out_ref[...] = jnp.where(v, row, jnp.zeros_like(row))


def kernel(means, colors_dc, scales, quats, opacities, means_grad_accum):
    mga = means_grad_accum
    op0 = opacities[:, 0]
    st = scales.T

    grid = pl.cdiv(_N, _BLK)
    c_score, s_score = pl.pallas_call(
        _score_kernel,
        grid=(grid,),
        in_specs=[
            pl.BlockSpec((_BLK,), lambda i: (i,)),
            pl.BlockSpec((_BLK,), lambda i: (i,)),
            pl.BlockSpec((3, _BLK), lambda i: (0, i)),
        ],
        out_specs=[
            pl.BlockSpec((_BLK,), lambda i: (i,)),
            pl.BlockSpec((_BLK,), lambda i: (i,)),
        ],
        out_shape=[
            jax.ShapeDtypeStruct((_N,), jnp.float32),
            jax.ShapeDtypeStruct((_N,), jnp.float32),
        ],
    )(mga, op0, st)

    c_vals, c_idx = jax.lax.top_k(c_score, _K)
    s_vals, s_idx = jax.lax.top_k(s_score, _K)

    feats = jnp.concatenate([means, colors_dc, scales, quats, opacities], axis=-1)
    feats3 = feats[:, None, :]
    idx = jnp.concatenate([c_idx, s_idx]).astype(jnp.int32)
    valid = jnp.concatenate(
        [jnp.isfinite(c_vals), jnp.isfinite(s_vals)]
    ).astype(jnp.float32)[:, None, None]

    out = pl.pallas_call(
        _gather_kernel,
        grid_spec=pltpu.PrefetchScalarGridSpec(
            num_scalar_prefetch=1,
            grid=(2 * _K,),
            in_specs=[
                pl.BlockSpec((1, 1, 14), lambda i, idx_ref: (idx_ref[i], 0, 0)),
                pl.BlockSpec((1, 1, 1), lambda i, idx_ref: (i, 0, 0)),
            ],
            out_specs=pl.BlockSpec((1, 1, 14), lambda i, idx_ref: (i, 0, 0)),
        ),
        out_shape=jax.ShapeDtypeStruct((2 * _K, 1, 14), jnp.float32),
    )(idx, feats3, valid)
    return out[:, 0, :]

# --- scband reference (transcript-rebuilt; emitter-appended) ---
"""Pipeline reference for scband-gaussian-model-61675730370913 (READ-ONLY COPY).

The authoritative reference and input builder live on the scoring server;
editing this copy changes nothing except your own understanding.
"""

import jax, jax.numpy as jnp
import numpy as np

N = 1000000
K = 16384
TAU_MEANS = 4.0
EPS_ALPHA = 0.005
PHI = 1.6
INTERVAL_DENSIFY = 100.0
MAX_WH = 1600.0
SCALE_THRESH = 0.01


def setup_inputs(seed: int = 0) -> dict:
    key = jax.random.key(seed)
    ks = jax.random.split(key, 6)
    return {
        "means": jax.random.normal(ks[0], (N, 3), dtype=jnp.float32),
        "colors_dc": jax.random.normal(ks[1], (N, 3), dtype=jnp.float32),
        "scales": jax.random.normal(ks[2], (N, 3), dtype=jnp.float32),
        "quats": jax.random.normal(ks[3], (N, 4), dtype=jnp.float32),
        "opacities": jax.random.normal(ks[4], (N, 1), dtype=jnp.float32),
        "means_grad_accum": jax.random.uniform(ks[5], (N,), dtype=jnp.float32),
    }


def reference(means, colors_dc, scales, quats, opacities, means_grad_accum):
    # densify_and_prune mask computation (GaussianModel)
    grad_norm_avg = means_grad_accum / INTERVAL_DENSIFY / 2.0 * MAX_WH
    grad_mask = grad_norm_avg >= TAU_MEANS
    prune_mask = (jax.nn.sigmoid(opacities) > EPS_ALPHA)[:, 0]
    scale_max = jnp.exp(scales).max(axis=-1)
    base = prune_mask & grad_mask
    clone_mask = (scale_max < SCALE_THRESH) & base
    split_mask = (scale_max > SCALE_THRESH) & base

    # fixed-size compaction of boolean-masked gathers via top-k on scores
    c_score = jnp.where(clone_mask, grad_norm_avg, -jnp.inf)
    c_vals, c_idx = jax.lax.top_k(c_score, K)
    c_valid = jnp.isfinite(c_vals)[:, None]
    clone_feats = jnp.concatenate(
        [means[c_idx], colors_dc[c_idx], scales[c_idx], quats[c_idx], opacities[c_idx]],
        axis=-1,
    )
    clone_feats = jnp.where(c_valid, clone_feats, 0.0)

    s_score = jnp.where(split_mask, grad_norm_avg, -jnp.inf)
    s_vals, s_idx = jax.lax.top_k(s_score, K)
    s_valid = jnp.isfinite(s_vals)[:, None]
    split_scales = jnp.log(jnp.exp(scales[s_idx]) / PHI)
    split_feats = jnp.concatenate(
        [means[s_idx], colors_dc[s_idx], split_scales, quats[s_idx], opacities[s_idx]],
        axis=-1,
    )
    split_feats = jnp.where(s_valid, split_feats, 0.0)

    return jnp.concatenate([clone_feats, split_feats], axis=0)

if __name__ == "__main__":
    import jax
    _d = setup_inputs()
    print(jax.jit(kernel)(*tuple(_d.values())))

</pallas_src>

<mosaic_0001>
module attributes {stable_mosaic.version = 14 : i64} {
  func.func @_score_kernel(%arg0: i32, %arg1: memref<131072xf32, #tpu.memory_space<vmem>>, %arg2: memref<131072xf32, #tpu.memory_space<vmem>>, %arg3: memref<3x131072xf32, #tpu.memory_space<vmem>>, %arg4: memref<131072xf32, #tpu.memory_space<vmem>>, %arg5: memref<131072xf32, #tpu.memory_space<vmem>>) attributes {dimension_semantics = [#tpu.dimension_semantics<arbitrary>], iteration_bounds = array<i64: 8>, scalar_prefetch = 0 : i64, scratch_operands = 0 : i64, tpu.core_type = #tpu.core_type<tc>, window_params = [{transform_indices = @transform_0, window_bounds = array<i64: 131072>}, {transform_indices = @transform_1, window_bounds = array<i64: 131072>}, {transform_indices = @transform_2, window_bounds = array<i64: 3, 131072>}, {transform_indices = @transform_3, window_bounds = array<i64: 131072>}, {transform_indices = @transform_4, window_bounds = array<i64: 131072>}]} {
    %get3A = arith.constant 0 : index
    %get3A_0 = vector.load %arg1[%get3A] : memref<131072xf32, #tpu.memory_space<vmem>>, vector<131072xf32>
    %div3A = arith.constant 1.000000e+02 : f32
    %div3A_1 = vector.broadcast %div3A : f32 to vector<131072xf32>
    %div3A_2 = arith.divf %get3A_0, %div3A_1 : vector<131072xf32>
    %div3A_3 = arith.constant 2.000000e+00 : f32
    %div3A_4 = vector.broadcast %div3A_3 : f32 to vector<131072xf32>
    %div3A_5 = arith.divf %div3A_2, %div3A_4 : vector<131072xf32>
    %mul3A = arith.constant 1.600000e+03 : f32
    %mul3A_6 = vector.broadcast %mul3A : f32 to vector<131072xf32>
    %mul3A_7 = arith.mulf %div3A_5, %mul3A_6 : vector<131072xf32>
    %ge3A = arith.constant 4.000000e+00 : f32
    %ge3A_8 = vector.broadcast %ge3A : f32 to vector<131072xf32>
    %ge3A_9 = arith.cmpf oge, %mul3A_7, %ge3A_8 : vector<131072xf32>
    %get3A_10 = arith.constant 0 : index
    %get3A_11 = vector.load %arg2[%get3A_10] : memref<131072xf32, #tpu.memory_space<vmem>>, vector<131072xf32>
    %logistic3A = arith.negf %get3A_11 : vector<131072xf32>
    %logistic3A_12 = math.exp %logistic3A : vector<131072xf32>
    %logistic3A_13 = arith.constant 1.000000e+00 : f32
    %logistic3A_14 = vector.broadcast %logistic3A_13 : f32 to vector<131072xf32>
    %logistic3A_15 = arith.addf %logistic3A_14, %logistic3A_12 : vector<131072xf32>
    %logistic3A_16 = arith.divf %logistic3A_14, %logistic3A_15 : vector<131072xf32>
    %gt3A = arith.constant 5.000000e-03 : f32
    %gt3A_17 = vector.broadcast %gt3A : f32 to vector<131072xf32>
    %gt3A_18 = arith.cmpf ogt, %logistic3A_16, %gt3A_17 : vector<131072xf32>
    %get3A_19 = arith.constant 0 : index
    %get3A_20 = arith.constant 0 : index
    %get3A_21 = vector.load %arg3[%get3A_19, %get3A_20] : memref<3x131072xf32, #tpu.memory_space<vmem>>, vector<3x131072xf32>
    %exp3A = math.exp %get3A_21 : vector<3x131072xf32>
    %reduce_max3A = arith.constant dense<0xFF800000> : vector<131072xf32>
    %reduce_max3A_22 = vector.multi_reduction <maximumf>, %exp3A, %reduce_max3A [0] : vector<3x131072xf32> to vector<131072xf32>
    %and3A = arith.andi %gt3A_18, %ge3A_9 : vector<131072xi1>
    %lt3A = arith.constant 0.00999999977 : f32
    %lt3A_23 = vector.broadcast %lt3A : f32 to vector<131072xf32>
    %lt3A_24 = arith.cmpf olt, %reduce_max3A_22, %lt3A_23 : vector<131072xf32>
    %and3A_25 = arith.andi %lt3A_24, %and3A : vector<131072xi1>
    %gt3A_26 = arith.constant 0.00999999977 : f32
    %gt3A_27 = vector.broadcast %gt3A_26 : f32 to vector<131072xf32>
    %gt3A_28 = arith.cmpf ogt, %reduce_max3A_22, %gt3A_27 : vector<131072xf32>
    %and3A_29 = arith.andi %gt3A_28, %and3A : vector<131072xi1>
    %jit3A = arith.constant 0xFF800000 : f32
    %broadcast_in_dim3A = vector.broadcast %jit3A : f32 to vector<131072xf32>
    %select_n3A = arith.select %and3A_25, %mul3A_7, %broadcast_in_dim3A : vector<131072xi1>, vector<131072xf32>
    %swap3A = arith.constant 0 : index
    %swap3A_30 = vector.load %arg4[%swap3A] : memref<131072xf32, #tpu.memory_space<vmem>>, vector<131072xf32>
    tpu.vector_store %arg4[%swap3A], %select_n3A {strides = array<i32>} : memref<131072xf32, #tpu.memory_space<vmem>>, vector<131072xf32>,
    %jit3A_31 = arith.constant 0xFF800000 : f32
    %broadcast_in_dim3A_32 = vector.broadcast %jit3A_31 : f32 to vector<131072xf32>
    %select_n3A_33 = arith.select %and3A_29, %mul3A_7, %broadcast_in_dim3A_32 : vector<131072xi1>, vector<131072xf32>
    %swap3A_34 = arith.constant 0 : index
    %swap3A_35 = vector.load %arg5[%swap3A_34] : memref<131072xf32, #tpu.memory_space<vmem>>, vector<131072xf32>
    tpu.vector_store %arg5[%swap3A_34], %select_n3A_33 {strides = array<i32>} : memref<131072xf32, #tpu.memory_space<vmem>>, vector<131072xf32>,
    return
  }
  func.func @transform_0(%arg0: i32) -> i32 {
    %c0_i32 = arith.constant 0 : i32
    return %arg0 : i32
  }
  func.func @transform_1(%arg0: i32) -> i32 {
    %c0_i32 = arith.constant 0 : i32
    return %arg0 : i32
  }
  func.func @transform_2(%arg0: i32) -> (i32, i32) {
    %c0_i32 = arith.constant 0 : i32
    %c0_i32_0 = arith.constant 0 : i32
    return %c0_i32, %arg0 : i32, i32
  }
  func.func @transform_3(%arg0: i32) -> i32 {
    %c0_i32 = arith.constant 0 : i32
    return %arg0 : i32
  }
  func.func @transform_4(%arg0: i32) -> i32 {
    %c0_i32 = arith.constant 0 : i32
    return %arg0 : i32
  }
}

module attributes {stable_mosaic.version = 14 : i64} {
  func.func @_gather_kernel(%arg0: i32, %arg1: memref<32768xi32, #tpu.memory_space<smem>>, %arg2: memref<1x1x14xf32, #tpu.memory_space<vmem>>, %arg3: memref<1x1x1xf32, #tpu.memory_space<vmem>>, %arg4: memref<1x1x14xf32, #tpu.memory_space<vmem>>) attributes {dimension_semantics = [#tpu.dimension_semantics<arbitrary>], iteration_bounds = array<i64: 32768>, scalar_prefetch = 1 : i64, scratch_operands = 0 : i64, tpu.core_type = #tpu.core_type<tc>, window_params = [{transform_indices = @transform_0, window_bounds = array<i64: 1, 1, 14>}, {transform_indices = @transform_1, window_bounds = array<i64: 1, 1, 1>}, {transform_indices = @transform_2, window_bounds = array<i64: 1, 1, 14>}]} {
    %get3A = arith.constant 0 : index
    %get3A_0 = arith.constant 0 : index
    %get3A_1 = arith.constant 0 : index
    %get3A_2 = vector.load %arg2[%get3A, %get3A_0, %get3A_1] : memref<1x1x14xf32, #tpu.memory_space<vmem>>, vector<1x1x14xf32>
    %iota3A = tpu.iota {dimensions = array<i32: 2>} : vector<1x1x14xi32>
    %exp3A = math.exp %get3A_2 : vector<1x1x14xf32>
    %div3A = arith.constant 1.600000e+00 : f32
    %div3A_3 = vector.broadcast %div3A : f32 to vector<1x1x14xf32>
    %div3A_4 = arith.divf %exp3A, %div3A_3 : vector<1x1x14xf32>
    %log3A = math.log %div3A_4 : vector<1x1x14xf32>
    %ge3A = arith.constant 6 : i32
    %ge3A_5 = vector.broadcast %ge3A : i32 to vector<1x1x14xi32>
    %ge3A_6 = arith.cmpi sge, %iota3A, %ge3A_5 : vector<1x1x14xi32>
    %lt3A = arith.constant 9 : i32
    %lt3A_7 = vector.broadcast %lt3A : i32 to vector<1x1x14xi32>
    %lt3A_8 = arith.cmpi slt, %iota3A, %lt3A_7 : vector<1x1x14xi32>
    %and3A = arith.andi %ge3A_6, %lt3A_8 : vector<1x1x14xi1>
    %ge3A_9 = arith.constant 16384 : i32
    %ge3A_10 = arith.cmpi sge, %arg0, %ge3A_9 : i32
    %and3A_11 = vector.broadcast %ge3A_10 : i1 to vector<1x1x14xi1>
    %and3A_12 = arith.andi %and3A, %and3A_11 : vector<1x1x14xi1>
    %select_n3A = arith.select %and3A_12, %log3A, %get3A_2 : vector<1x1x14xi1>, vector<1x1x14xf32>
    %get3A_13 = arith.constant 0 : index
    %get3A_14 = arith.constant 0 : index
    %get3A_15 = arith.constant 0 : index
    %get3A_16 = vector.load %arg3[%get3A_13, %get3A_14, %get3A_15] : memref<1x1x1xf32, #tpu.memory_space<vmem>>, vector<1x1x1xf32>
    %get3A_17 = vector.extract %get3A_16[0, 0, 0] : f32 from vector<1x1x1xf32>
    %gt3A = arith.constant 0.000000e+00 : f32
    %gt3A_18 = arith.cmpf ogt, %get3A_17, %gt3A : f32
    %broadcast_in_dim3A = arith.constant 0.000000e+00 : f32
    %broadcast_in_dim3A_19 = vector.broadcast %broadcast_in_dim3A : f32 to vector<1x1x14xf32>
    %select_n3A_20 = arith.select %gt3A_18, %select_n3A, %broadcast_in_dim3A_19 : vector<1x1x14xf32>
    %swap3A = arith.constant 0 : index
    %swap3A_21 = arith.constant 0 : index
    %swap3A_22 = arith.constant 0 : index
    %swap3A_23 = vector.load %arg4[%swap3A, %swap3A_21, %swap3A_22] : memref<1x1x14xf32, #tpu.memory_space<vmem>>, vector<1x1x14xf32>
    tpu.vector_store %arg4[%swap3A, %swap3A_21, %swap3A_22], %select_n3A_20 {strides = array<i32>} : memref<1x1x14xf32, #tpu.memory_space<vmem>>, vector<1x1x14xf32>,
    return
  }
  func.func @transform_0(%arg0: i32, %arg1: memref<32768xi32, #tpu.memory_space<smem>>) -> (i32, i32, i32) {
    %get3A = arith.index_cast %arg0 : i32 to index
    %get3A_0 = memref.load %arg1[%get3A] : memref<32768xi32, #tpu.memory_space<smem>>
    %c0_i32 = arith.constant 0 : i32
    %c0_i32_1 = arith.constant 0 : i32
    %c0_i32_2 = arith.constant 0 : i32
    return %get3A_0, %c0_i32, %c0_i32_1 : i32, i32, i32
  }
  func.func @transform_1(%arg0: i32, %arg1: memref<32768xi32, #tpu.memory_space<smem>>) -> (i32, i32, i32) {
    %c0_i32 = arith.constant 0 : i32
    %c0_i32_0 = arith.constant 0 : i32
    %c0_i32_1 = arith.constant 0 : i32
    return %arg0, %c0_i32, %c0_i32_0 : i32, i32, i32
  }
  func.func @transform_2(%arg0: i32, %arg1: memref<32768xi32, #tpu.memory_space<smem>>) -> (i32, i32, i32) {
    %c0_i32 = arith.constant 0 : i32
    %c0_i32_0 = arith.constant 0 : i32
    %c0_i32_1 = arith.constant 0 : i32
    return %arg0, %c0_i32, %c0_i32_0 : i32, i32, i32
  }
}

</mosaic_0001>

<sc_bundles>
// kernel: sparse-core-data-format-call.cloned.1.call-start
scs
called_computation_lowered:
.L_overlay_start_0:
0x0: {  	s1 =	sld [smem:$0x3FD9]  }
0x1: {  	s2 =	sld [smem:$0x3FFE];
	_ =	sdelay $0x1  }
0x2: {  	s3 =	srdreg.scid  }
0x3: {  	s0 =	sand.u32 $0x1, s3  }
0x4: {  	s17 =	sshll.u32 s0, $0xA;
	s1 =	sadd.s32 s2, s1  }
0x5: {  	s1 =	sadd.s32 s1, s17  }
0x6: {  	[smem:$0x3FC2] =	sst s1  }
0x7: {  	_ = 	snop  }
0x8: {  	(tm) =	ssettm $0x1  }
0x9: {  	s18 =	sld [smem:$0x3FFB];
	_ =	sdelay $0x3  }
0xa: {  	_ =	strace s18  }
0xb: {  	s1 =	sld [smem:$0x3FFC];
	_ =	sdelay $0x3  }
0xc: {  	_ =	strace s1  }
0xd: {  	s1 =	sld [smem:$0x3FFD];
	_ =	sdelay $0x3  }
0xe: {  	_ =	strace s1  }
0xf: {  	_ =	strace $0x8FFFFFFF  }
0x10: {  	s19 =	sld [smem:$0x3FDB];
	_ =	sdelay $0x1  }
0x11: {  	s20 =	simm.s32 $_scs_section_size  }
0x12: {  	s4 =	simm.s32 $_size__tile_overlayer_lowered;
	s5 =	simm.s32 $_tile_overlayer_lowered  }
0x13: {  	s23 =	simm.s32 $0x1BFF;
	s22 =	sshll.u32 s5, $0x1;
	s1 =	sadd.s32 s20, s19  }
0x14: {  	s6 =	simm.s32 $0x0;
	s21 =	sshll.u32 s4, $0x1;
	s4 =	sadd.s32 s22, s1  }
0x15: {  	[timem:s6], [sflag:s23] =	dma.local [hbm:s4], s21  }
0x16: {  	_ =	swait.ge [sflag:s23], s21  }
0x17: {  	s2 =	ssub.s32 $0x0, s21;
	[sflag:s23] =	ssyncset.done $0x0  }
0x18: {  	[sflag:s23] =	ssyncadd.s32 s2;
	_ =	sdelay $0x1  }
0x19: {  	s24 =	simm.s32 $0x1B8B  }
0x1a: {  	_ =	swait.ge [sflag:s24], $0x1  }
0x1b: {  	[sflag:s24] =	ssyncset.done $0x0  }
0x1c: {  	s26 =	simm.s32 $0x1B8E;
	s25 =	sld [smem:$0x3FFE];
	[sflag:s24] =	ssyncadd.s32 $0xFFFFFFFF  }
0x1d: {  	s27 =	simm.s32 $execute0_lowered;
	[smem:$0x3FD2] =	sst s26  }
0x1e: {  	s4 =	sshll.u32 s27, $0x1;
	_ =	strace $0x80000046;
	[dreg:$0x1] =	wrdreg $0xFFFFFFFF  }
0x1f: {  	s28 =	simm.s32 $_size_execute0_lowered;
	s1 =	sadd.s32 s1, s4;
	[dreg:$0x0] =	wrdreg $0x0  }
0x20: {  	s4 =	sshll.u32 s28, $0x1;
	[dreg:$0x2] =	wrdreg s1  }
0x21: {  	[dreg:$0x3] =	wrdreg s4  }
0x22: {  	[dreg:$0x4] =	wrdreg $0xC0  }
0x23: {  	_ =	task [dreg:s6], $0x5FFFF  }
0x24: {  	[dreg:$0x1] =	wrdreg $0xFFFFFFFF  }
0x25: {  	[dreg:$0x0] =	wrdreg $0x60  }
0x26: {  	[dreg:$0x2] =	wrdreg s25  }
0x27: {  	[dreg:$0x3] =	wrdreg $0x9  }
0x28: {  	_ =	task.clear_ibuf [dreg:s6], $0x4FFFF;
	_ =	strace $0x90000046  }
0x29: {  	s29 =	simm.s32 $0x9;
	_ =	strace $0x80000048  }
0x2a: {  	_ =	swait.ge [sflag:s29], $0x1  }
0x2b: {  	[sflag:s29] =	ssyncadd.s32 $0xFFFFFFFF  }
0x2c: {  	_ =	strace $0x90000048  }
0x2d: {  	_ =	sfence  }
0x2e: {  	s30 =	sld [smem:$0x0];
	_ =	sdelay $0x2  }
0x2f: {  	s31 =	sshll.u32 s3, $0xD;
	s3 =	sshrl.u32 s3, $0x2  }
0x30: {  	s2 =	sand.u32 $0x4000, s31;
	s1 =	sadd.s32 s3, s30  }
0x31: {  	s0 =	sor.u32 s2, s0;
	s1 =	sshll.u32 s1, $0x11  }
0x32: {  	s0 =	sor.u32 s1, s0  }
0x33: {  	s0 =	sadd.s32 $0x8F2B, s0  }
0x34: {  	[sflag:s0] =	ssyncadd.remote.s32 $0x1  }
0x35: {  	_ =	sfence.sel $0xFFFF  }
0x36: {  	[dreg:$0x0] =	wrdreg $0xFFFFFFFF;
	(pc) =	sbr.abs _section_cstart, $3  }
0x37: {  	[dreg:$0x1] =	wrdreg $0xFFFFFFFF  }
0x38: {  	_ =	task.clear_ibuf [dreg:s6], $0x2FFFF;
	_ =	strace $0x9FFFFFFF  }
0x39: {  	(tm) =	ssettm $0x7FFFFFFF  }
tec
execute0_lowered:
.L_overlay_start_1:
0x0: {  	(tag) =	ssettag $0x1  }
0x1: {  	s0 =	srdreg.scid  }
0x2: {  	s2 =	rddreg [dreg:$0x0];
	s1 =	stileid.u32  }
0x3: {  	s4 =	simm.s32 $0x1;
	s6 =	simm.s32 $0x2;
	s15 =	simm.s32 $0x0  }
0x4: {  	p0 =	por $0x0, $0x0;
	s8 =	simm.s32 $0x80;
	s0 =	sshll.u32 s0, $0x4  }
0x5: {  	s14 =	simm.s32 $0x0;
	s9 =	simm.s32 $0x0;
	s3 =	sand.u32 $0x10, s0  }
.Ltmp0:
0x6: {  	s10 =	simm.s32 $0x0;
	s3 =	sor.u32 s1, s3;
	(pc) =	sbr.rel .LBB1_1-.Ltmp0, $4  }
0x7: {  	s0 =	rddreg [dreg:$0x1];
	_ =	strace $0x80000047;
	s3 =	sshll.u32 s3, $0x7  }
0x8: {  	s12 =	simm.s32 $0x0;
	[sflag:s4] =	ssyncpa.u1 $0x0;
	s7 =	ssub.s32 $0xF4200, s3  }
0x9: {  	s13 =	simm.s32 $0x0;
	[sflag:s6] =	ssyncpa.u1 $0x0;
	s6 =	sshrl.u32 s7, $0xC  }
0xa: {  	s5 =	sadd.s32 $0x1E8600, s2;
	s11 =	smov.u32 s3;
	s7 =	sadd.s32 $0x2, s6  }
.LBB1_5:
0xb: {  	p1 =	slt.u32 s13, $0x2  }
0xc: {  	s17 =	smov.u32 s15;
	p2 =	sgt.s32 @!p1 s15, $0xF41C0;
	s16 =	sshra.s32 @!p1 s15, $0x1F  }
0xd: {  	p3 =	sgt.s32 @!p1 s14, $0x70;
	s18 =	sshra.s32 @!p1 s14, $0x1F;
	p2 =	por !p2, p1  }
0xe: {  	s15 =	sand.u32 @!p1 s16, s15;
	p3 =	por !p3, p1;
	s16 =	smov.u32 s14  }
0xf: {  	s14 =	sand.u32 @!p1 s18, s14;
	s17 =	simm.s32 @p2 $0xF41C0;
	s16 =	simm.s32 @p3 $0x70  }
0x10: {  	s15 =	ssub.s32 @!p1 s17, s15;
	s14 =	ssub.s32 @!p1 s16, s14  }
0x11: {  	s18 =	smov.u32 s12;
	s16 =	sadd.s32 @!p1 $0xFFF0BE40, s15;
	s17 =	sadd.s32 @!p1 $0xFFFFFF90, s14  }
0x12: {  	s15 =	ssub.s32 @!p1 $0xF4240, s15;
	p2 =	sgt.s32 @!p1 s16, $0x7F;
	p3 =	sgt.s32 @!p1 s17, $0xF  }
0x13: {  	s14 =	ssub.s32 @!p1 $0x80, s14;
	p2 =	por !p2, p1;
	p3 =	por !p3, p1  }
0x14: {  	s16 =	sadd.s32 $0x1000, s11;
	s15 =	simm.s32 @!p2 $0x0;
	s14 =	simm.s32 @!p3 $0x0  }
0x15: {  	p2 =	sgt.s32 s16, $0xF423F;
	s14 =	smul.u32 @!p1 s14, s15;
	s15 =	sadd.s32 $0x10, s12  }
0x16: {  	s18 =	smov.u32 @p2 s15  }
0x17: {  	s16 =	smov.u32 @p2 s3;
	p2 =	sgt.s32 s18, $0xD  }
0x18: {  	s18 =	simm.s32 @p2 $0x0;
	p2 =	sne.s32 s13, s7  }
.Ltmp1:
0x19: {  	p0 =	por !p0, !p0;
	s17 =	simm.s32 @!p1 $0x2;
	(pc) =	sbr.rel @!p2 .LBB1_6-.Ltmp1, $4  }
0x1a: {  	s15 =	smov.u32 s9;
	s9 =	smov.u32 s11;
	s14 =	sand.u32 @!p1 $0x3FFFFFFF, s14  }
0x1b: {  	s11 =	smov.u32 s16;
	_ =	swait.ge @!p1 [sflag:s17], s14;
	s19 =	ssub.s32 @!p1 $0x0, s14  }
0x1c: {  	s14 =	smov.u32 s10;
	s13 =	sadd.s32 $0x1, s13;
	[sflag:s17] =	ssyncset.done @!p1 $0x0  }
0x1d: {  	s10 =	smov.u32 s12;
	s12 =	smov.u32 s18;
	[sflag:s17] =	ssyncadd.s32 @!p1 s19  }
.LBB1_1:
0x1e: {  	p1 =	sgt.u32 s13, s6  }
0x1f: {  	s16 =	sshrl.u32 @!p1 s12, $0x3  }
0x20: {  	s17 =	sshll.u32 @!p1 s11, $0x3;
	s16 =	smul.u32 @!p1 $0x7A1400, s16  }
0x21: {  	s18 =	sshll.u32 @!p1 s12, $0x7;
	s17 =	sand.u32 @!p1 $0xFFFFFC00, s17  }
0x22: {  	s16 =	sadd.s32 @!p1 s16, s17;
	s17 =	sand.u32 @!p1 $0x380, s18  }
0x23: {  	s18 =	sand.u32 @!p1 $0x7F, s11;
	s16 =	sor.u32 @!p1 s17, s16  }
0x24: {  	s17 =	sor.u32 @!p1 s18, s16  }
0x25: {  	s18 =	smulhi.u32 @!p1 $0x218D6287, s17;
	_ =	sdelay $0x1  }
0x26: {  	s16 =	smulhi.u32 @!p1 $0x218D6287, s16;
	s18 =	sshrl.u32 @!p1 s18, $0x11  }
0x27: {  	s18 =	smul.u32 @!p1 $0xF4280, s18  }
0x28: {  	s19 =	sxor.u32 @!p1 $0xFFFFFFFF, s13;
	s16 =	sshrl.u32 @!p1 s16, $0x11  }
0x29: {  	s19 =	sshll.u32 @!p1 s19, $0xB;
	s16 =	sand.u32 @!p1 $0xF, s16;
	s17 =	ssub.s32 @!p1 s17, s18  }
0x2a: {  	s16 =	smul.u32 @!p1 $0x1E850, s16;
	s18 =	sshrl.u32 @!p1 s17, $0x3;
	s17 =	sand.u32 @!p1 $0x7, s17  }
0x2b: {  	s19 =	sand.u32 @!p1 $0x800, s19;
	s18 =	sadd.s32 @!p1 s2, s18;
	s17 =	sshll.u32 @!p1 s17, $0x12  }
0x2c: {  	s16 =	sadd.s32 @!p1 s16, s18;
	s17 =	sor.u32 @!p1 $0x400, s17;
	s18 =	simm.s32 @!p1 $0x7A1400  }
0x2d: {  	[tilespmem:s19], [sflag:$0x1] =	stream.strided.gather @!p1 [hbm4b:s16+s17], $0x800, s18, s17, $0x38;
	[tilespmem:$0x2100] =	vst v63  }
0x2e: {  	p1 =	seq.s32 s13, $0x0  }
0x2f: {  	p2 =	sge.u32 @!p1 s13, s7  }
0x30: {  	p1 =	por p1, p2  }
.Ltmp2:
0x31: {  	_ = 	snop;
	(pc) =	sbr.rel @p1 .LBB1_5-.Ltmp2, $1  }
0x32: {  	_ =	sdelay $0x3  }
0x33: {  	s16 =	simm.s32 $0x1  }
0x34: {  	_ =	swait.ge [sflag:s4], $0x800;
	s16 =	simm.s32 @!p0 $0x0  }
0x35: {  	[sflag:s4] =	ssyncset.done $0x0;
	s17 =	sshll.u32 s16, $0xB  }
0x36: {  	[sflag:s4] =	ssyncadd.s32 $0xFFFFF800;
	s17 =	sor.u32 $0x40, s17  }
0x37: {  	s16 =	smul.u32 $0x2200, s16;
	v0 =	vld [tilespmem:s17+$0x30]  }
0x38: {  	v1 =	vld [tilespmem:s17+$0xFFFFFFD0]  }
0x39: {  	s16 =	sshrl.u32 s16, $0x2;
	v5 =	vld [tilespmem:s17+$0xFFFFFFE0]  }
0x3a: {  	v6 =	vld [tilespmem:s17+$0xFFFFFFF0];
	s19 =	sor.u32 $0x1000, s16  }
0x3b: {  	s31 =	sand.u32 $0x1, s13;
	v4 =	vld [tilespmem:s17+$0x0];
	s18 =	sadd.s32 $0x0, s19  }
0x3c: {  	v3 =	vld [tilespmem:s17+$0x10];
	s16 =	smul.u32 $0x2200, s31;
	[tilespmem:s18+$0x770 ss:$0x11] =	vst.msk $0xffff, v0  }
0x3d: {  	v2 =	vld [tilespmem:s17+$0x20];
	[tilespmem:s18+$0x110 ss:$0x11] =	vst.msk $0xffff, v1  }
0x3e: {  	s16 =	sshrl.u32 s16, $0x2;
	v1 =	vld [tilespmem:s17+$0xFFFFFFC0];
	[tilespmem:s18+$0x220 ss:$0x11] =	vst.msk $0xffff, v5;
	s17 =	sadd.s32 $0x80, s17  }
0x3f: {  	s20 =	simm.s32 $0x4;
	s21 =	simm.s32 $0x8;
	s16 =	sor.u32 $0x1000, s16;
	[tilespmem:s18+$0x330 ss:$0x11] =	vst.msk $0xffff, v6;
	v0 =	vld [tilespmem:s17+$0x30]  }
.LBB1_3:
0x40: {  	p1 =	sne.s32 s21, $0x3C;
	v5 =	vld [tilespmem:s17+$0xFFFFFFD0];
	[tilespmem:s18+$0x440 ss:$0x11] =	vst.msk $0xffff, v4  }
0x41: {  	v6 =	vld [tilespmem:s17+$0xFFFFFFE0];
	[tilespmem:s18+$0x550 ss:$0x11] =	vst.msk $0xffff, v3  }
0x42: {  	s22 =	sshra.s32 s20, $0x2;
	s20 =	smov.u32 s21;
	v7 =	vld [tilespmem:s17+$0xFFFFFFF0];
	[tilespmem:s18+$0x660 ss:$0x11] =	vst.msk $0xffff, v2  }
.Ltmp3:
0x43: {  	v4 =	vld [tilespmem:s17+$0x0];
	[tilespmem:s18+$0x0 ss:$0x11] =	vst.msk $0xffff, v1;
	s18 =	sadd.s32 s22, s19;
	(pc) =	sbr.rel @p1 .LBB1_3-.Ltmp3, $4  }
0x44: {  	v3 =	vld [tilespmem:s17+$0x10];
	[tilespmem:s18+$0x770 ss:$0x11] =	vst.msk $0xffff, v0  }
0x45: {  	[tilespmem:s18+$0x110 ss:$0x11] =	vst.msk $0xffff, v5;
	v2 =	vld [tilespmem:s17+$0x20]  }
0x46: {  	v1 =	vld [tilespmem:s17+$0xFFFFFFC0];
	[tilespmem:s18+$0x220 ss:$0x11] =	vst.msk $0xffff, v6;
	s17 =	sadd.s32 $0x80, s17  }
0x47: {  	s21 =	sadd.s32 $0x4, s21;
	v0 =	vld [tilespmem:s17+$0x30];
	[tilespmem:s18+$0x330 ss:$0x11] =	vst.msk $0xffff, v7  }
0x48: {  	s21 =	sshll.u32 s9, $0x7;
	s22 =	sshll.u32 s10, $0x3;
	s20 =	sshra.s32 s20, $0x2  }
0x49: {  	p1 =	sgt.s32 s9, $0xF41C0;
	s30 =	sshra.s32 s9, $0x1F;
	s25 =	sshra.s32 s10, $0x1F  }
0x4a: {  	v5 =	vld [tilespmem:s17+$0xFFFFFFD0];
	s28 =	sshrl.u32 s10, $0x3;
	s23 =	sand.u32 $0xFFFFFC00, s21;
	s22 =	sand.u32 $0xFFFFFC00, s22  }
0x4b: {  	[tilespmem:s18+$0x440 ss:$0x11] =	vst.msk $0xffff, v4;
	v58 =	vld [tilespmem:s17+$0xFFFFFFE0];
	s21 =	sand.u32 $0x380, s21;
	s19 =	sadd.s32 s20, s19;
	s22 =	sadd.s32 s22, s23  }
0x4c: {  	v59 =	vld [tilespmem:s17+$0xFFFFFFF0];
	[tilespmem:s18+$0x550 ss:$0x11] =	vst.msk $0xffff, v3;
	s29 =	sor.u32 s21, s22;
	s21 =	smov.u32 s9;
	s22 =	sand.u32 s30, s9  }
0x4d: {  	v60 =	vld [tilespmem:s17+$0x0];
	[tilespmem:s18+$0x660 ss:$0x11] =	vst.msk $0xffff, v2;
	s30 =	sand.u32 $0x7, s10;
	s20 =	sshrl.u32 s29, $0x7;
	s21 =	simm.s32 @!p1 $0xF41C0  }
0x4e: {  	v61 =	vld [tilespmem:s17+$0x10];
	[tilespmem:s18+$0x0 ss:$0x11] =	vst.msk $0xffff, v1;
	p1 =	sgt.s32 s10, $0x70;
	s24 =	ssub.s32 s21, s22;
	s21 =	smov.u32 s10  }
0x4f: {  	v62 =	vld [tilespmem:s17+$0x20];
	[tilespmem:s19+$0x770 ss:$0x11] =	vst.msk $0xffff, v0;
	s31 =	smulhi.u32 $0x218DEF5, s20;
	s22 =	sand.u32 s25, s10;
	s21 =	simm.s32 @!p1 $0x70  }
0x50: {  	v63 =	vld [tilespmem:s17+$0xFFFFFFC0];
	[tilespmem:s19+$0x110 ss:$0x11] =	vst.msk $0xffff, v5;
	s26 =	sadd.s32 $0xFFF0BE40, s24;
	s17 =	ssub.s32 $0xF4240, s24;
	s21 =	ssub.s32 s21, s22  }
0x51: {  	[tilespmem:s19+$0x220 ss:$0x11] =	vst.msk $0xffff, v58;
	s23 =	sshrl.u32 s31, $0xD;
	p1 =	sgt.s32 s26, $0x7F;
	s27 =	sadd.s32 $0xFFFFFF90, s21  }
0x52: {  	[tilespmem:s19+$0x330 ss:$0x11] =	vst.msk $0xffff, v59;
	s23 =	smul.u32 $0xF4240, s23;
	s18 =	ssub.s32 $0x80, s21;
	p2 =	sgt.s32 s27, $0xF  }
.Ltmp4:
0x53: {  	[tilespmem:s19+$0x440 ss:$0x11] =	vst.msk $0xffff, v60;
	s17 =	simm.s32 @p1 $0x0;
	s18 =	simm.s32 @p2 $0x0;
	(pc) =	sbr.rel .LBB1_5-.Ltmp4, $4  }
0x54: {  	s29 =	sand.u32 $0xF, s28;
	[tilespmem:s19+$0x550 ss:$0x11] =	vst.msk $0xffff, v61;
	s20 =	ssub.s32 s20, s23;
	s17 =	smul.u32 s18, s17  }
0x55: {  	[tilespmem:s19+$0x660 ss:$0x11] =	vst.msk $0xffff, v62;
	s21 =	sshll.u32 s30, $0x12;
	s20 =	sshll.u32 s20, $0x4;
	s18 =	sadd.s32 s5, s29  }
0x56: {  	[tilespmem:s19+$0x0 ss:$0x11] =	vst.msk $0xffff, v63;
	s31 =	sor.u32 $0x10, s21;
	s18 =	sadd.s32 s20, s18;
	s17 =	sand.u32 $0x3FFFFFFF, s17  }
0x57: {  	[hbm4b:s18+s31] =	stream.strided.scatter [tilespmem:s16], [sflag:$0x2], s17, s8, s31, $0x8;
	[tilespmem:$0x2100] =	vst v63  }
.LBB1_6:
0x58: {  	_ =	sfence.sel $0x180000  }
0x59: {  	s2 =	simm.s32 $0x1;
	[bflag:$0x0] =	sbarrier.arrive $0xFFFF  }
0x5a: {  	s31 =	simm.s32 $0x2;
	[sflag:s2] =	ssyncpa.u1 $0x1  }
0x5b: {  	[sflag:s31] =	ssyncpa.u1 $0x1  }
0x5c: {  	p0 =	sne.s32 s1, $0x0;
	_ =	strace $0x90000047  }
0x5d: {  	s0 =	sadd.s32 @!p0 $0x100000, s0;
	[bflag:$0x2] =	sbarrier.arrive $0xFFFF  }
0x5e: {  	[sflag:s0] =	ssyncadd.tile.s32 @!p0 $0x1;
	_ =	shalt  }
.Lfunc_end1:
_tile_overlayer_lowered:
.L_overlay_start_2:
0x5f: {  	(tag) =	ssettag $0x2  }
0x60: {  	s0 =	rddreg [dreg:$0x0];
	s2 =	stileid.u32  }
0x61: {  	s1 =	rddreg [dreg:$0x1];
	p0 =	sne.s32 s2, $0x0  }
0x62: {  	s3 =	rddreg [dreg:$0x2];
	[bflag:$0x3] =	sbarrier.arrive $0xFFFF;
	s2 =	simm.s32 @!p0 $0x1C01  }
0x63: {  	[timem:s3], [sflag:s2] =	dma.local @!p0 [hbm:s0], s1  }
0x64: {  	s0 =	simm.s32 @!p0 $0x1  }
0x65: {  	_ =	swait.ge @!p0 [sflag:s0], s1  }
0x66: {  	s1 =	ssub.s32 @!p0 $0x0, s1;
	[sflag:s0] =	ssyncset.done @!p0 $0x0  }
0x67: {  	[sflag:s0] =	ssyncadd.s32 @!p0 s1  }
0x68: {  	[bflag:$0x3] =	sbarrier.arrive $0xFFFF  }
0x69: {  	_ =	shalt  }

</sc_bundles>
